<compile_context>
chip_gen: v7x
topology: tpu7x:2x2x1
jax: 0.10.2.dev20260603
libtpu: 0.0.44.dev20260713+nightly
codegen_flags: <defaults>
</compile_context>

<pallas_src>
import jax
import jax.numpy as jnp
from jax import lax
from jax.experimental import pallas as pl
from jax.experimental.pallas import tpu as pltpu
from jax.experimental.pallas import tpu_sc as plsc

_ALPHA = 0.5
_EPSILON = 10.0

_NUM_CORES = 2
_NUM_SUBCORES = 16
_NW = _NUM_CORES * _NUM_SUBCORES

_N_CHUNKS = 8


def _scan_kernel(ps_ref, pt_ref, a_ref):
    ps = ps_ref[...]
    t_dim, n_dim = ps.shape
    x = jnp.concatenate(
        [jnp.ones((t_dim, 1), jnp.float32), 1.0 - ps[:, 1:]], axis=1
    )
    s = 1
    while s < n_dim:
        x = x * jnp.concatenate(
            [jnp.ones((t_dim, s), jnp.float32), x[:, :-s]], axis=1
        )
        s *= 2
    ps_next = jnp.concatenate(
        [ps[:, 1:], jnp.ones((t_dim, 1), jnp.float32)], axis=1
    )
    pt = ps_next * x + _EPSILON / t_dim
    t_col = lax.broadcasted_iota(jnp.int32, (t_dim, n_dim), 0).astype(jnp.float32)
    pt_ref[...] = pt
    a_ref[...] = jnp.reshape(pt * (1.0 - t_col / t_dim), (-1,))


def _sc_perm_body(a_hbm, idx_hbm, out_hbm, idx_v, w_v, sem):
    chunk = idx_v.shape[0]
    wid = lax.axis_index("s") * _NUM_CORES + lax.axis_index("c")
    base = wid * chunk
    pltpu.sync_copy(idx_hbm.at[pl.ds(base, chunk)], idx_v)
    pltpu.async_copy(a_hbm.at[idx_v], w_v, sem).wait()
    pltpu.sync_copy(w_v, out_hbm.at[pl.ds(base, chunk)])


def _gather_kernel(lcp_ref, pt_ref, y_ref, expg_ref, cls_ref, acc):
    i = pl.program_id(0)
    lcp = lcp_ref[...]
    yt = jnp.transpose(y_ref[...])
    c_iota = lax.broadcasted_iota(jnp.int32, lcp.shape, 1)
    g = jnp.sum(
        jnp.where(c_iota == yt[:, None, :], lcp, 0.0), axis=1
    )

    @pl.when(i == 0)
    def _():
        acc[0] = 0.0

    acc[0] += jnp.sum(g * pt_ref[...])
    expg_ref[...] = jnp.exp(g)

    @pl.when(i == pl.num_programs(0) - 1)
    def _():
        cls_ref[...] = jnp.broadcast_to(acc[0], (1, 1))


def _make_earl_kernel(t_dim):
    def _earl_kernel(expg_ref, w_ref, cls_ref, out_ref):
        e = jnp.reshape(expg_ref[...], (-1,))
        earl = jnp.sum(e * w_ref[...])
        cls_g = cls_ref[0, 0]
        loss = (_ALPHA * (-cls_g) - (1.0 - _ALPHA) * earl) / t_dim
        out_ref[...] = jnp.broadcast_to(loss, (1, 1))

    return _earl_kernel


def kernel(log_class_probabilities, probability_stopping, y_true):
    T, N, C = log_class_probabilities.shape
    M = T * N
    chunk = M // _NW
    nc = N // _N_CHUNKS

    lcp_t = jnp.transpose(log_class_probabilities, (0, 2, 1))

    pt, a_flat = pl.pallas_call(
        _scan_kernel,
        out_shape=[
            jax.ShapeDtypeStruct((T, N), jnp.float32),
            jax.ShapeDtypeStruct((M,), jnp.float32),
        ],
    )(probability_stopping)

    j = lax.iota(jnp.int32, M)
    perm_idx = (j % T) * N + j // T

    sc_perm = pl.kernel(
        _sc_perm_body,
        mesh=plsc.VectorSubcoreMesh(core_axis_name="c", subcore_axis_name="s"),
        out_type=jax.ShapeDtypeStruct((M,), jnp.float32),
        scratch_types=[
            pltpu.VMEM((chunk,), jnp.int32),
            pltpu.VMEM((chunk,), jnp.float32),
            pltpu.SemaphoreType.DMA,
        ],
    )
    w_flat = sc_perm(a_flat, perm_idx)

    expg, cls_g = pl.pallas_call(
        _gather_kernel,
        grid=(_N_CHUNKS,),
        in_specs=[
            pl.BlockSpec((T, C, nc), lambda i: (0, 0, i)),
            pl.BlockSpec((T, nc), lambda i: (0, i)),
            pl.BlockSpec((nc, T), lambda i: (i, 0)),
        ],
        out_specs=[
            pl.BlockSpec((T, nc), lambda i: (0, i)),
            pl.BlockSpec((1, 1), lambda i: (0, 0)),
        ],
        out_shape=[
            jax.ShapeDtypeStruct((T, N), jnp.float32),
            jax.ShapeDtypeStruct((1, 1), jnp.float32),
        ],
        scratch_shapes=[pltpu.SMEM((1,), jnp.float32)],
    )(lcp_t, pt, y_true)

    loss = pl.pallas_call(
        _make_earl_kernel(T),
        out_shape=jax.ShapeDtypeStruct((1, 1), jnp.float32),
    )(expg, w_flat, cls_g)

    return loss[0, 0]

# --- scband reference (transcript-rebuilt; emitter-appended) ---
"""Pipeline reference for scband-early-reward-loss-29583734735591 (READ-ONLY COPY).

The authoritative reference and input builder live on the scoring server;
editing this copy changes nothing except your own understanding.
"""

import jax, jax.numpy as jnp
import numpy as np

ALPHA = 0.5
EPSILON = 10.0


def _calculate_probability_making_decision(deltas):
    # deltas: (B, S). budget_t = budget_{t-1} * (1 - deltas[:, t]); pt_t = deltas[:, t] * budget_{t-1}
    B, S = deltas.shape
    d = deltas[:, 1:]
    cumb = jnp.cumprod(1.0 - d, axis=1)  # budget after steps 1..S-1
    budget_prev = jnp.concatenate([jnp.ones((B, 1), deltas.dtype), cumb[:, :-1]], axis=1)
    pts_main = d * budget_prev  # pt for t=1..S-1
    pts = jnp.concatenate([pts_main, cumb[:, -1:]], axis=1)  # final entry is remaining budget
    return pts  # (B, S)


def setup_inputs(seed: int = 0) -> dict:
    key = jax.random.key(seed)
    k1, k2, k3 = jax.random.split(key, 3)
    T, N, C = 50, 4096, 32
    log_class_probabilities = jax.random.normal(k1, (T, N, C), dtype=jnp.float32)
    probability_stopping = jax.random.uniform(k2, (T, N), dtype=jnp.float32)
    y_true = jax.random.randint(k3, (N, T), 0, C, dtype=jnp.int32)
    return {
        "log_class_probabilities": log_class_probabilities,
        "probability_stopping": probability_stopping,
        "y_true": y_true,
    }


def reference(log_class_probabilities, probability_stopping, y_true):
    y_true_p = jnp.transpose(y_true)  # (T, N)
    T, N, C = log_class_probabilities.shape

    Pt = _calculate_probability_making_decision(probability_stopping)  # (T, N)
    Pt = Pt + EPSILON / T

    # probability_correct_class (faithful to torch masked_select + view(N, T))
    gathered = jnp.take_along_axis(log_class_probabilities, y_true_p[..., None], axis=2)[..., 0]  # (T, N), T-major flat order
    y_haty = jnp.exp(jnp.reshape(gathered, (N, T)))  # torch .view(batchsize, sequencelength)
    y_haty = jnp.transpose(y_haty)  # (T, N)

    t_mat = jnp.broadcast_to(jnp.arange(T, dtype=jnp.float32)[:, None], (T, N))
    earliness_reward = Pt * y_haty * (1.0 - t_mat / T)
    earliness_reward = jnp.mean(jnp.sum(earliness_reward, axis=1), axis=0)

    y_flat = jnp.reshape(y_true_p, (T * N,))
    lp_flat = jnp.reshape(log_class_probabilities, (T * N, C))
    cross_entropy = -jnp.take_along_axis(lp_flat, y_flat[:, None], axis=1)[:, 0]
    cross_entropy = jnp.reshape(cross_entropy, (T, N))
    classification_loss = jnp.mean(jnp.sum(cross_entropy * Pt, axis=1), axis=0)

    loss = ALPHA * classification_loss - (1.0 - ALPHA) * earliness_reward
    return loss

if __name__ == "__main__":
    import jax
    _d = setup_inputs()
    print(jax.jit(kernel)(*tuple(_d.values())))

</pallas_src>

<mosaic_0001>
#map = affine_map<(d0, d1) -> (0)>
module attributes {stable_mosaic.version = 14 : i64} {
  func.func @_sc_perm_body(%arg0: i32, %arg1: i32, %arg2: memref<204800xf32, #tpu.memory_space<hbm>>, %arg3: memref<204800xi32, #tpu.memory_space<hbm>>, %arg4: memref<204800xf32, #tpu.memory_space<hbm>>, %arg5: memref<6400xi32, #tpu.memory_space<vmem>>, %arg6: memref<6400xf32, #tpu.memory_space<vmem>>, %arg7: memref<!tpu.dma_semaphore, #tpu.memory_space<semaphore_mem>>) attributes {dimension_semantics = [#tpu.dimension_semantics<core_parallel>, #tpu.dimension_semantics<subcore_parallel>], iteration_bounds = array<i64: 2, 16>, scalar_prefetch = 0 : i64, scratch_operands = 3 : i64, tpu.core_type = #tpu.core_type<sc_vector_subcore>, window_params = [{transform_indices = #map}, {transform_indices = #map}, {transform_indices = #map}]} {
    %mul3A = arith.constant 2 : i32
    %mul3A_0 = arith.muli %arg1, %mul3A : i32
    %add3A = arith.addi %mul3A_0, %arg0 : i32
    %mul3A_1 = arith.constant 6400 : i32
    %mul3A_2 = arith.muli %add3A, %mul3A_1 : i32
    "tpu.region"() ({
      %run_scoped3A = tpu.sem_alloc : memref<!tpu.dma_semaphore, #tpu.memory_space<semaphore_mem>>
      %dma_start3A_5 = tpu.memref_slice %arg3[%mul3A_2] : memref<204800xi32, #tpu.memory_space<hbm>> -> memref<6400xi32, #tpu.memory_space<hbm>>
      %dma_start3A_6 = tpu.memref_slice %arg3[%mul3A_2] : memref<204800xi32, #tpu.memory_space<hbm>> -> memref<6400xi32, #tpu.memory_space<hbm>>
      tpu.enqueue_dma source(%dma_start3A_6 : memref<6400xi32, #tpu.memory_space<hbm>>) target(%arg5 : memref<6400xi32, #tpu.memory_space<vmem>>) target_semaphore(%run_scoped3A : memref<!tpu.dma_semaphore, #tpu.memory_space<semaphore_mem>>)
      %dma_wait3A_7 = tpu.memref_slice %arg3[%mul3A_2] : memref<204800xi32, #tpu.memory_space<hbm>> -> memref<6400xi32, #tpu.memory_space<hbm>>
      %dma_wait3A_8 = tpu.memref_slice %arg3[%mul3A_2] : memref<204800xi32, #tpu.memory_space<hbm>> -> memref<6400xi32, #tpu.memory_space<hbm>>
      tpu.wait_dma2 semaphore(%run_scoped3A : memref<!tpu.dma_semaphore, #tpu.memory_space<semaphore_mem>>) src(%dma_wait3A_8 : memref<6400xi32, #tpu.memory_space<hbm>>) dst(%arg5 : memref<6400xi32, #tpu.memory_space<vmem>>)
      tpu.yield
    }) : () -> ()
    %dma_start3A = arith.constant 0 : i32
    %dma_start3A_3 = tpu.memref_slice %arg2[%dma_start3A] : memref<204800xf32, #tpu.memory_space<hbm>> -> memref<204800xf32, #tpu.memory_space<hbm>>
    tpu.enqueue_indirect_dma source(%dma_start3A_3 : memref<204800xf32, #tpu.memory_space<hbm>>) target(%arg6 : memref<6400xf32, #tpu.memory_space<vmem>>) offsets(%arg5 : memref<6400xi32, #tpu.memory_space<vmem>>) semaphore(%arg7 : memref<!tpu.dma_semaphore, #tpu.memory_space<semaphore_mem>>)
    %dma_wait3A = arith.constant 0 : i32
    %dma_wait3A_4 = tpu.memref_slice %arg2[%dma_wait3A] : memref<204800xf32, #tpu.memory_space<hbm>> -> memref<204800xf32, #tpu.memory_space<hbm>>
    tpu.wait_indirect_dma semaphore(%arg7 : memref<!tpu.dma_semaphore, #tpu.memory_space<semaphore_mem>>) src(%dma_wait3A_4 : memref<204800xf32, #tpu.memory_space<hbm>>) dst(%arg6 : memref<6400xf32, #tpu.memory_space<vmem>>)
    "tpu.region"() ({
      %run_scoped3A = tpu.sem_alloc : memref<!tpu.dma_semaphore, #tpu.memory_space<semaphore_mem>>
      %dma_start3A_5 = tpu.memref_slice %arg4[%mul3A_2] : memref<204800xf32, #tpu.memory_space<hbm>> -> memref<6400xf32, #tpu.memory_space<hbm>>
      %dma_start3A_6 = tpu.memref_slice %arg4[%mul3A_2] : memref<204800xf32, #tpu.memory_space<hbm>> -> memref<6400xf32, #tpu.memory_space<hbm>>
      tpu.enqueue_dma source(%arg6 : memref<6400xf32, #tpu.memory_space<vmem>>) target(%dma_start3A_6 : memref<6400xf32, #tpu.memory_space<hbm>>) target_semaphore(%run_scoped3A : memref<!tpu.dma_semaphore, #tpu.memory_space<semaphore_mem>>)
      %dma_wait3A_7 = tpu.memref_slice %arg4[%mul3A_2] : memref<204800xf32, #tpu.memory_space<hbm>> -> memref<6400xf32, #tpu.memory_space<hbm>>
      %dma_wait3A_8 = tpu.memref_slice %arg4[%mul3A_2] : memref<204800xf32, #tpu.memory_space<hbm>> -> memref<6400xf32, #tpu.memory_space<hbm>>
      tpu.wait_dma2 semaphore(%run_scoped3A : memref<!tpu.dma_semaphore, #tpu.memory_space<semaphore_mem>>) src(%arg6 : memref<6400xf32, #tpu.memory_space<vmem>>) dst(%dma_wait3A_8 : memref<6400xf32, #tpu.memory_space<hbm>>)
      tpu.yield
    }) : () -> ()
    return
  }
}

module attributes {stable_mosaic.version = 14 : i64} {
  func.func @_gather_kernel(%arg0: i32, %arg1: memref<50x32x512xf32, #tpu.memory_space<vmem>>, %arg2: memref<50x512xf32, #tpu.memory_space<vmem>>, %arg3: memref<512x50xi32, #tpu.memory_space<vmem>>, %arg4: memref<50x512xf32, #tpu.memory_space<vmem>>, %arg5: memref<1x1xf32, #tpu.memory_space<vmem>>, %arg6: memref<1xf32, #tpu.memory_space<smem>>) attributes {dimension_semantics = [#tpu.dimension_semantics<arbitrary>], iteration_bounds = array<i64: 8>, scalar_prefetch = 0 : i64, scratch_operands = 1 : i64, tpu.core_type = #tpu.core_type<tc>, window_params = [{transform_indices = @transform_0, window_bounds = array<i64: 50, 32, 512>}, {transform_indices = @transform_1, window_bounds = array<i64: 50, 512>}, {transform_indices = @transform_2, window_bounds = array<i64: 512, 50>}, {transform_indices = @transform_3, window_bounds = array<i64: 50, 512>}, {pipeline_mode = #tpu.pipeline_mode<synchronous>, transform_indices = @transform_4, window_bounds = array<i64: 1, 1>}]} {
    %get3A = arith.constant 0 : index
    %get3A_0 = arith.constant 0 : index
    %get3A_1 = arith.constant 0 : index
    %get3A_2 = vector.load %arg1[%get3A, %get3A_0, %get3A_1] : memref<50x32x512xf32, #tpu.memory_space<vmem>>, vector<50x32x512xf32>
    %get3A_3 = arith.constant 0 : index
    %get3A_4 = arith.constant 0 : index
    %get3A_5 = vector.load %arg3[%get3A_3, %get3A_4] : memref<512x50xi32, #tpu.memory_space<vmem>>, vector<512x50xi32>
    %transpose3A = tpu.transpose %get3A_5, [1, 0] : vector<512x50xi32> -> vector<50x512xi32>
    %iota3A = tpu.iota {dimensions = array<i32: 1>} : vector<50x32x512xi32>
    %broadcast_in_dim3A = vector.shape_cast %transpose3A : vector<50x512xi32> to vector<50x1x512xi32>
    %eq3A = vector.broadcast %broadcast_in_dim3A : vector<50x1x512xi32> to vector<50x32x512xi32>
    %eq3A_6 = arith.cmpi eq, %iota3A, %eq3A : vector<50x32x512xi32>
    %jit3A = arith.constant 0.000000e+00 : f32
    %broadcast_in_dim3A_7 = vector.broadcast %jit3A : f32 to vector<50x32x512xf32>
    %select_n3A = arith.select %eq3A_6, %get3A_2, %broadcast_in_dim3A_7 : vector<50x32x512xi1>, vector<50x32x512xf32>
    %reduce_sum3A = arith.constant dense<0.000000e+00> : vector<50x512xf32>
    %reduce_sum3A_8 = vector.multi_reduction <add>, %select_n3A, %reduce_sum3A [1] : vector<50x32x512xf32> to vector<50x512xf32>
    %eq3A_9 = arith.constant 0 : i32
    %eq3A_10 = arith.cmpi eq, %arg0, %eq3A_9 : i32
    %convert_element_type3A = arith.extui %eq3A_10 : i1 to i32
    %cond3A = arith.constant 0 : i32
    %cond3A_11 = arith.cmpi ne, %convert_element_type3A, %cond3A : i32
    scf.if %cond3A_11 {
      %swap3A_31 = arith.constant 0.000000e+00 : f32
      %swap3A_32 = arith.constant 0 : index
      %swap3A_33 = memref.load %arg6[%swap3A_32] : memref<1xf32, #tpu.memory_space<smem>>
      memref.store %swap3A_31, %arg6[%swap3A_32] : memref<1xf32, #tpu.memory_space<smem>>
    } else {
    }
    %get3A_12 = arith.constant 0 : index
    %get3A_13 = memref.load %arg6[%get3A_12] : memref<1xf32, #tpu.memory_space<smem>>
    %get3A_14 = arith.constant 0 : index
    %get3A_15 = arith.constant 0 : index
    %get3A_16 = vector.load %arg2[%get3A_14, %get3A_15] : memref<50x512xf32, #tpu.memory_space<vmem>>, vector<50x512xf32>
    %mul3A = arith.mulf %reduce_sum3A_8, %get3A_16 : vector<50x512xf32>
    %reduce_sum3A_17 = vector.shape_cast %mul3A : vector<50x512xf32> to vector<1x50x512xf32>
    %reduce_sum3A_18 = arith.constant dense<0.000000e+00> : vector<1xf32>
    %reduce_sum3A_19 = vector.multi_reduction <add>, %reduce_sum3A_17, %reduce_sum3A_18 [1, 2] : vector<1x50x512xf32> to vector<1xf32>
    %reduce_sum3A_20 = vector.shape_cast %reduce_sum3A_19 : vector<1xf32> to vector<1x1x1xf32>
    %reduce_sum3A_21 = vector.extract %reduce_sum3A_20[0, 0, 0] : f32 from vector<1x1x1xf32>
    %add3A = arith.addf %get3A_13, %reduce_sum3A_21 : f32
    %swap3A = arith.constant 0 : index
    %swap3A_22 = memref.load %arg6[%swap3A] : memref<1xf32, #tpu.memory_space<smem>>
    memref.store %add3A, %arg6[%swap3A] : memref<1xf32, #tpu.memory_space<smem>>
    %exp3A = math.exp %reduce_sum3A_8 : vector<50x512xf32>
    %swap3A_23 = arith.constant 0 : index
    %swap3A_24 = arith.constant 0 : index
    %swap3A_25 = vector.load %arg4[%swap3A_23, %swap3A_24] : memref<50x512xf32, #tpu.memory_space<vmem>>, vector<50x512xf32>
    tpu.vector_store %arg4[%swap3A_23, %swap3A_24], %exp3A {strides = array<i32>} : memref<50x512xf32, #tpu.memory_space<vmem>>, vector<50x512xf32>,
    %eq3A_26 = arith.constant 7 : i32
    %eq3A_27 = arith.cmpi eq, %arg0, %eq3A_26 : i32
    %convert_element_type3A_28 = arith.extui %eq3A_27 : i1 to i32
    %cond3A_29 = arith.constant 0 : i32
    %cond3A_30 = arith.cmpi ne, %convert_element_type3A_28, %cond3A_29 : i32
    scf.if %cond3A_30 {
      %get3A_31 = arith.constant 0 : index
      %get3A_32 = memref.load %arg6[%get3A_31] : memref<1xf32, #tpu.memory_space<smem>>
      %broadcast_in_dim3A_33 = vector.broadcast %get3A_32 : f32 to vector<1x1xf32>
      %swap3A_34 = arith.constant 0 : index
      %swap3A_35 = arith.constant 0 : index
      %swap3A_36 = vector.load %arg5[%swap3A_34, %swap3A_35] : memref<1x1xf32, #tpu.memory_space<vmem>>, vector<1x1xf32>
      tpu.vector_store %arg5[%swap3A_34, %swap3A_35], %broadcast_in_dim3A_33 {strides = array<i32>} : memref<1x1xf32, #tpu.memory_space<vmem>>, vector<1x1xf32>,
    } else {
    }
    return
  }
  func.func @transform_0(%arg0: i32) -> (i32, i32, i32) {
    %c0_i32 = arith.constant 0 : i32
    %c0_i32_0 = arith.constant 0 : i32
    %c0_i32_1 = arith.constant 0 : i32
    return %c0_i32, %c0_i32_0, %arg0 : i32, i32, i32
  }
  func.func @transform_1(%arg0: i32) -> (i32, i32) {
    %c0_i32 = arith.constant 0 : i32
    %c0_i32_0 = arith.constant 0 : i32
    return %c0_i32, %arg0 : i32, i32
  }
  func.func @transform_2(%arg0: i32) -> (i32, i32) {
    %c0_i32 = arith.constant 0 : i32
    %c0_i32_0 = arith.constant 0 : i32
    return %arg0, %c0_i32 : i32, i32
  }
  func.func @transform_3(%arg0: i32) -> (i32, i32) {
    %c0_i32 = arith.constant 0 : i32
    %c0_i32_0 = arith.constant 0 : i32
    return %c0_i32, %arg0 : i32, i32
  }
  func.func @transform_4(%arg0: i32) -> (i32, i32) {
    %c0_i32 = arith.constant 0 : i32
    %c0_i32_0 = arith.constant 0 : i32
    %c0_i32_1 = arith.constant 0 : i32
    return %c0_i32, %c0_i32_0 : i32, i32
  }
}

module attributes {stable_mosaic.version = 14 : i64} {
  func.func @_scan_kernel(%arg0: memref<50x4096xf32, #tpu.memory_space<vmem>>, %arg1: memref<50x4096xf32, #tpu.memory_space<vmem>>, %arg2: memref<204800xf32, #tpu.memory_space<vmem>>) attributes {dimension_semantics = [], scalar_prefetch = 0 : i64, scratch_operands = 0 : i64, tpu.core_type = #tpu.core_type<tc>} {
    %get3A = arith.constant 0 : index
    %get3A_0 = arith.constant 0 : index
    %get3A_1 = vector.load %arg0[%get3A, %get3A_0] : memref<50x4096xf32, #tpu.memory_space<vmem>>, vector<50x4096xf32>
    %broadcast_in_dim3A = arith.constant 1.000000e+00 : f32
    %broadcast_in_dim3A_2 = vector.broadcast %broadcast_in_dim3A : f32 to vector<50x1xf32>
    %slice3A = vector.extract_strided_slice %get3A_1 {offsets = [0, 1], sizes = [50, 4095], strides = [1, 1]} : vector<50x4096xf32> to vector<50x4095xf32>
    %sub3A = arith.constant 1.000000e+00 : f32
    %sub3A_3 = vector.broadcast %sub3A : f32 to vector<50x4095xf32>
    %sub3A_4 = arith.subf %sub3A_3, %slice3A : vector<50x4095xf32>
    %concatenate3A = tpu.concatenate %broadcast_in_dim3A_2, %sub3A_4 in 1 : vector<50x1xf32>, vector<50x4095xf32> -> vector<50x4096xf32>
    %broadcast_in_dim3A_5 = arith.constant 1.000000e+00 : f32
    %broadcast_in_dim3A_6 = vector.broadcast %broadcast_in_dim3A_5 : f32 to vector<50x1xf32>
    %slice3A_7 = vector.extract_strided_slice %concatenate3A {offsets = [0, 0], sizes = [50, 4095], strides = [1, 1]} : vector<50x4096xf32> to vector<50x4095xf32>
    %concatenate3A_8 = tpu.concatenate %broadcast_in_dim3A_6, %slice3A_7 in 1 : vector<50x1xf32>, vector<50x4095xf32> -> vector<50x4096xf32>
    %mul3A = arith.mulf %concatenate3A, %concatenate3A_8 : vector<50x4096xf32>
    %broadcast_in_dim3A_9 = arith.constant 1.000000e+00 : f32
    %broadcast_in_dim3A_10 = vector.broadcast %broadcast_in_dim3A_9 : f32 to vector<50x2xf32>
    %slice3A_11 = vector.extract_strided_slice %mul3A {offsets = [0, 0], sizes = [50, 4094], strides = [1, 1]} : vector<50x4096xf32> to vector<50x4094xf32>
    %concatenate3A_12 = tpu.concatenate %broadcast_in_dim3A_10, %slice3A_11 in 1 : vector<50x2xf32>, vector<50x4094xf32> -> vector<50x4096xf32>
    %mul3A_13 = arith.mulf %mul3A, %concatenate3A_12 : vector<50x4096xf32>
    %broadcast_in_dim3A_14 = arith.constant 1.000000e+00 : f32
    %broadcast_in_dim3A_15 = vector.broadcast %broadcast_in_dim3A_14 : f32 to vector<50x4xf32>
    %slice3A_16 = vector.extract_strided_slice %mul3A_13 {offsets = [0, 0], sizes = [50, 4092], strides = [1, 1]} : vector<50x4096xf32> to vector<50x4092xf32>
    %concatenate3A_17 = tpu.concatenate %broadcast_in_dim3A_15, %slice3A_16 in 1 : vector<50x4xf32>, vector<50x4092xf32> -> vector<50x4096xf32>
    %mul3A_18 = arith.mulf %mul3A_13, %concatenate3A_17 : vector<50x4096xf32>
    %broadcast_in_dim3A_19 = arith.constant 1.000000e+00 : f32
    %broadcast_in_dim3A_20 = vector.broadcast %broadcast_in_dim3A_19 : f32 to vector<50x8xf32>
    %slice3A_21 = vector.extract_strided_slice %mul3A_18 {offsets = [0, 0], sizes = [50, 4088], strides = [1, 1]} : vector<50x4096xf32> to vector<50x4088xf32>
    %concatenate3A_22 = tpu.concatenate %broadcast_in_dim3A_20, %slice3A_21 in 1 : vector<50x8xf32>, vector<50x4088xf32> -> vector<50x4096xf32>
    %mul3A_23 = arith.mulf %mul3A_18, %concatenate3A_22 : vector<50x4096xf32>
    %broadcast_in_dim3A_24 = arith.constant 1.000000e+00 : f32
    %broadcast_in_dim3A_25 = vector.broadcast %broadcast_in_dim3A_24 : f32 to vector<50x16xf32>
    %slice3A_26 = vector.extract_strided_slice %mul3A_23 {offsets = [0, 0], sizes = [50, 4080], strides = [1, 1]} : vector<50x4096xf32> to vector<50x4080xf32>
    %concatenate3A_27 = tpu.concatenate %broadcast_in_dim3A_25, %slice3A_26 in 1 : vector<50x16xf32>, vector<50x4080xf32> -> vector<50x4096xf32>
    %mul3A_28 = arith.mulf %mul3A_23, %concatenate3A_27 : vector<50x4096xf32>
    %broadcast_in_dim3A_29 = arith.constant 1.000000e+00 : f32
    %broadcast_in_dim3A_30 = vector.broadcast %broadcast_in_dim3A_29 : f32 to vector<50x32xf32>
    %slice3A_31 = vector.extract_strided_slice %mul3A_28 {offsets = [0, 0], sizes = [50, 4064], strides = [1, 1]} : vector<50x4096xf32> to vector<50x4064xf32>
    %concatenate3A_32 = tpu.concatenate %broadcast_in_dim3A_30, %slice3A_31 in 1 : vector<50x32xf32>, vector<50x4064xf32> -> vector<50x4096xf32>
    %mul3A_33 = arith.mulf %mul3A_28, %concatenate3A_32 : vector<50x4096xf32>
    %broadcast_in_dim3A_34 = arith.constant 1.000000e+00 : f32
    %broadcast_in_dim3A_35 = vector.broadcast %broadcast_in_dim3A_34 : f32 to vector<50x64xf32>
    %slice3A_36 = vector.extract_strided_slice %mul3A_33 {offsets = [0, 0], sizes = [50, 4032], strides = [1, 1]} : vector<50x4096xf32> to vector<50x4032xf32>
    %concatenate3A_37 = tpu.concatenate %broadcast_in_dim3A_35, %slice3A_36 in 1 : vector<50x64xf32>, vector<50x4032xf32> -> vector<50x4096xf32>
    %mul3A_38 = arith.mulf %mul3A_33, %concatenate3A_37 : vector<50x4096xf32>
    %broadcast_in_dim3A_39 = arith.constant 1.000000e+00 : f32
    %broadcast_in_dim3A_40 = vector.broadcast %broadcast_in_dim3A_39 : f32 to vector<50x128xf32>
    %slice3A_41 = vector.extract_strided_slice %mul3A_38 {offsets = [0, 0], sizes = [50, 3968], strides = [1, 1]} : vector<50x4096xf32> to vector<50x3968xf32>
    %concatenate3A_42 = tpu.concatenate %broadcast_in_dim3A_40, %slice3A_41 in 1 : vector<50x128xf32>, vector<50x3968xf32> -> vector<50x4096xf32>
    %mul3A_43 = arith.mulf %mul3A_38, %concatenate3A_42 : vector<50x4096xf32>
    %broadcast_in_dim3A_44 = arith.constant 1.000000e+00 : f32
    %broadcast_in_dim3A_45 = vector.broadcast %broadcast_in_dim3A_44 : f32 to vector<50x256xf32>
    %slice3A_46 = vector.extract_strided_slice %mul3A_43 {offsets = [0, 0], sizes = [50, 3840], strides = [1, 1]} : vector<50x4096xf32> to vector<50x3840xf32>
    %concatenate3A_47 = tpu.concatenate %broadcast_in_dim3A_45, %slice3A_46 in 1 : vector<50x256xf32>, vector<50x3840xf32> -> vector<50x4096xf32>
    %mul3A_48 = arith.mulf %mul3A_43, %concatenate3A_47 : vector<50x4096xf32>
    %broadcast_in_dim3A_49 = arith.constant 1.000000e+00 : f32
    %broadcast_in_dim3A_50 = vector.broadcast %broadcast_in_dim3A_49 : f32 to vector<50x512xf32>
    %slice3A_51 = vector.extract_strided_slice %mul3A_48 {offsets = [0, 0], sizes = [50, 3584], strides = [1, 1]} : vector<50x4096xf32> to vector<50x3584xf32>
    %concatenate3A_52 = tpu.concatenate %broadcast_in_dim3A_50, %slice3A_51 in 1 : vector<50x512xf32>, vector<50x3584xf32> -> vector<50x4096xf32>
    %mul3A_53 = arith.mulf %mul3A_48, %concatenate3A_52 : vector<50x4096xf32>
    %broadcast_in_dim3A_54 = arith.constant 1.000000e+00 : f32
    %broadcast_in_dim3A_55 = vector.broadcast %broadcast_in_dim3A_54 : f32 to vector<50x1024xf32>
    %slice3A_56 = vector.extract_strided_slice %mul3A_53 {offsets = [0, 0], sizes = [50, 3072], strides = [1, 1]} : vector<50x4096xf32> to vector<50x3072xf32>
    %concatenate3A_57 = tpu.concatenate %broadcast_in_dim3A_55, %slice3A_56 in 1 : vector<50x1024xf32>, vector<50x3072xf32> -> vector<50x4096xf32>
    %mul3A_58 = arith.mulf %mul3A_53, %concatenate3A_57 : vector<50x4096xf32>
    %broadcast_in_dim3A_59 = arith.constant 1.000000e+00 : f32
    %broadcast_in_dim3A_60 = vector.broadcast %broadcast_in_dim3A_59 : f32 to vector<50x2048xf32>
    %slice3A_61 = vector.extract_strided_slice %mul3A_58 {offsets = [0, 0], sizes = [50, 2048], strides = [1, 1]} : vector<50x4096xf32> to vector<50x2048xf32>
    %concatenate3A_62 = tpu.concatenate %broadcast_in_dim3A_60, %slice3A_61 in 1 : vector<50x2048xf32>, vector<50x2048xf32> -> vector<50x4096xf32>
    %mul3A_63 = arith.mulf %mul3A_58, %concatenate3A_62 : vector<50x4096xf32>
    %slice3A_64 = vector.extract_strided_slice %get3A_1 {offsets = [0, 1], sizes = [50, 4095], strides = [1, 1]} : vector<50x4096xf32> to vector<50x4095xf32>
    %broadcast_in_dim3A_65 = arith.constant 1.000000e+00 : f32
    %broadcast_in_dim3A_66 = vector.broadcast %broadcast_in_dim3A_65 : f32 to vector<50x1xf32>
    %concatenate3A_67 = tpu.concatenate %slice3A_64, %broadcast_in_dim3A_66 in 1 : vector<50x4095xf32>, vector<50x1xf32> -> vector<50x4096xf32>
    %mul3A_68 = arith.mulf %concatenate3A_67, %mul3A_63 : vector<50x4096xf32>
    %add3A = arith.constant 2.000000e-01 : f32
    %add3A_69 = vector.broadcast %add3A : f32 to vector<50x4096xf32>
    %add3A_70 = arith.addf %mul3A_68, %add3A_69 : vector<50x4096xf32>
    %iota3A = tpu.iota {dimensions = array<i32: 0>} : vector<50x4096xi32>
    %convert_element_type3A = arith.sitofp %iota3A : vector<50x4096xi32> to vector<50x4096xf32>
    %swap3A = arith.constant 0 : index
    %swap3A_71 = arith.constant 0 : index
    %swap3A_72 = vector.load %arg1[%swap3A, %swap3A_71] : memref<50x4096xf32, #tpu.memory_space<vmem>>, vector<50x4096xf32>
    tpu.vector_store %arg1[%swap3A, %swap3A_71], %add3A_70 {strides = array<i32>} : memref<50x4096xf32, #tpu.memory_space<vmem>>, vector<50x4096xf32>,
    %div3A = arith.constant 5.000000e+01 : f32
    %div3A_73 = vector.broadcast %div3A : f32 to vector<50x4096xf32>
    %div3A_74 = arith.divf %convert_element_type3A, %div3A_73 : vector<50x4096xf32>
    %sub3A_75 = arith.constant 1.000000e+00 : f32
    %sub3A_76 = vector.broadcast %sub3A_75 : f32 to vector<50x4096xf32>
    %sub3A_77 = arith.subf %sub3A_76, %div3A_74 : vector<50x4096xf32>
    %mul3A_78 = arith.mulf %add3A_70, %sub3A_77 : vector<50x4096xf32>
    %reshape3A = vector.shape_cast %mul3A_78 : vector<50x4096xf32> to vector<204800xf32>
    %swap3A_79 = arith.constant 0 : index
    %swap3A_80 = vector.load %arg2[%swap3A_79] : memref<204800xf32, #tpu.memory_space<vmem>>, vector<204800xf32>
    tpu.vector_store %arg2[%swap3A_79], %reshape3A {strides = array<i32>} : memref<204800xf32, #tpu.memory_space<vmem>>, vector<204800xf32>,
    return
  }
}

module attributes {stable_mosaic.version = 14 : i64} {
  func.func @_earl_kernel(%arg0: memref<50x4096xf32, #tpu.memory_space<vmem>>, %arg1: memref<204800xf32, #tpu.memory_space<vmem>>, %arg2: memref<1x1xf32, #tpu.memory_space<vmem>>, %arg3: memref<1x1xf32, #tpu.memory_space<vmem>>) attributes {dimension_semantics = [], scalar_prefetch = 0 : i64, scratch_operands = 0 : i64, tpu.core_type = #tpu.core_type<tc>} {
    %get3A = arith.constant 0 : index
    %get3A_0 = arith.constant 0 : index
    %get3A_1 = vector.load %arg0[%get3A, %get3A_0] : memref<50x4096xf32, #tpu.memory_space<vmem>>, vector<50x4096xf32>
    %reshape3A = vector.shape_cast %get3A_1 : vector<50x4096xf32> to vector<204800xf32>
    %get3A_2 = arith.constant 0 : index
    %get3A_3 = vector.load %arg1[%get3A_2] : memref<204800xf32, #tpu.memory_space<vmem>>, vector<204800xf32>
    %mul3A = arith.mulf %reshape3A, %get3A_3 : vector<204800xf32>
    %reduce_sum3A = vector.shape_cast %mul3A : vector<204800xf32> to vector<1x204800xf32>
    %reduce_sum3A_4 = arith.constant dense<0.000000e+00> : vector<1xf32>
    %reduce_sum3A_5 = vector.multi_reduction <add>, %reduce_sum3A, %reduce_sum3A_4 [1] : vector<1x204800xf32> to vector<1xf32>
    %reduce_sum3A_6 = vector.shape_cast %reduce_sum3A_5 : vector<1xf32> to vector<1x1xf32>
    %reduce_sum3A_7 = vector.extract %reduce_sum3A_6[0, 0] : f32 from vector<1x1xf32>
    %get3A_8 = arith.constant 0 : index
    %get3A_9 = arith.constant 0 : index
    %get3A_10 = vector.load %arg2[%get3A_8, %get3A_9] : memref<1x1xf32, #tpu.memory_space<vmem>>, vector<1x1xf32>
    %get3A_11 = vector.extract %get3A_10[0, 0] : f32 from vector<1x1xf32>
    %neg3A = arith.constant 0.000000e+00 : f32
    %neg3A_12 = arith.subf %neg3A, %get3A_11 : f32
    %mul3A_13 = arith.constant 5.000000e-01 : f32
    %mul3A_14 = arith.mulf %mul3A_13, %neg3A_12 : f32
    %mul3A_15 = arith.constant 5.000000e-01 : f32
    %mul3A_16 = arith.mulf %mul3A_15, %reduce_sum3A_7 : f32
    %sub3A = arith.subf %mul3A_14, %mul3A_16 : f32
    %div3A = arith.constant 5.000000e+01 : f32
    %div3A_17 = arith.divf %sub3A, %div3A : f32
    %broadcast_in_dim3A = vector.broadcast %div3A_17 : f32 to vector<1x1xf32>
    %swap3A = arith.constant 0 : index
    %swap3A_18 = arith.constant 0 : index
    %swap3A_19 = vector.load %arg3[%swap3A, %swap3A_18] : memref<1x1xf32, #tpu.memory_space<vmem>>, vector<1x1xf32>
    tpu.vector_store %arg3[%swap3A, %swap3A_18], %broadcast_in_dim3A {strides = array<i32>} : memref<1x1xf32, #tpu.memory_space<vmem>>, vector<1x1xf32>,
    return
  }
}

</mosaic_0001>

<sc_bundles>
// kernel: kernel.6.cloned.1.call-start
scs
__scs_entry_jumppad:
0x0: {  	(pc) =	sbr.rel $0x88, $3  }
0x1: {  	(tag) =	ssettag $0x0;
	lr =	simm.s32 $0x1  }
0x2: {  	[smem:$0x3F9E] =	sst lr;
	_ =	strace $0xD0000000  }
0x3: {  	_ = 	snop  }
0x4: {  	_ = 	snop  }
0x5: {  	_ = 	snop  }
0x6: {  	_ = 	snop  }
0x7: {  	_ = 	snop  }
__scs_overlays_trampoline_lowered:
0x8: {  	[smem:$0x3FAD] =	sst s0  }
0x9: {  	[smem:$0x3FAE] =	sst s1  }
0xa: {  	[smem:$0x3FAF] =	sst s2  }
0xb: {  	[smem:$0x3FB0] =	sst s3  }
0xc: {  	[smem:$0x3FB1] =	sst s4  }
0xd: {  	[smem:$0x3FB2] =	sst s5  }
0xe: {  	[smem:$0x3FB3] =	sst s6  }
0xf: {  	[smem:$0x3FB4] =	sst s7  }
0x10: {  	[smem:$0x3FB5] =	sst s8  }
0x11: {  	[smem:$0x3FB6] =	sst s9;
	s0 =	simm.s32 @!p0 $0x0  }
0x12: {  	s1 =	sld [smem:$0x3F9C];
	s0 =	simm.s32 @p0 $0x1  }
0x13: {  	[smem:$0x3FB7] =	sst s0;
	s0 =	simm.s32 @!p1 $0x0  }
0x14: {  	s2 =	sld [smem:$0x3F9B];
	s0 =	simm.s32 @p1 $0x1  }
0x15: {  	[smem:$0x3FB8] =	sst s0;
	s0 =	simm.s32 @!p2 $0x0  }
0x16: {  	s3 =	sld [smem:$0x3FDB];
	s0 =	simm.s32 @p2 $0x1  }
0x17: {  	s4 =	simm.s32 $0x1BF5;
	[smem:$0x3FBA] =	sst s0  }
0x18: {  	s0 =	sld [smem:$0x3F9D];
	_ =	swait.ge [sflag:s4], $0x0  }
0x19: {  	s7 =	sld [smem:$0x3F9E]  }
0x1a: {  	s8 =	sadd.s32 $0xFFFFE003, lr  }
0x1b: {  	s9 =	sadd.s32 $0xFFFFFEF7, lr;
	s5 =	simm.s32 $0xFFFFFFFF;
	p2 =	slt.u32 s8, $0xFFFFF086  }
0x1c: {  	p1 =	slt.u32 s9, $0xF7A;
	s5 =	simm.s32 @!p2 $0x0  }
0x1d: {  	s5 =	simm.s32 @p1 $0x1;
	p0 =	seq.s32 s7, s2  }
0x1e: {  	s7 =	smul.u32 @!p0 $0xF7A, s2;
	p2 =	seq.s32 @!p0 s5, $0x0  }
0x1f: {  	s9 =	smul.u32 $0xF7A, s1;
	s8 =	simm.s32 @!p0 $0x1BF5;
	p2 =	por !p2, p0  }
0x20: {  	[sflag:s8] =	ssyncset.s32 @!p0 $0xFFFFF086;
	s6 =	sadd.s32 @!p0 s3, s7;
	s7 =	simm.s32 @!p0 $0x108  }
0x21: {  	s3 =	sadd.s32 s3, s9;
	s6 =	sadd.s32 @!p0 $0x88, s6;
	s7 =	simm.s32 @p2 $0x1082  }
0x22: {  	[simem:s7], [sflag:s8] =	dma.local @!p0 [hbm:s6], $0xF7A  }
0x23: {  	s9 =	sor.u32 $0xD0000000, s2;
	s6 =	simm.s32 $0x108;
	_ =	swait.ge @!p0 [sflag:s8], $0x0  }
0x24: {  	s3 =	sadd.s32 $0x88, s3;
	s6 =	simm.s32 @!p1 $0x1082;
	[sflag:s4] =	ssyncset.s32 $0xFFFFF086  }
0x25: {  	[simem:s6], [sflag:s4] =	dma.local [hbm:s3], $0xF7A  }
0x26: {  	[smem:$0x3F9E] =	sst s1;
	(tag) =	ssettag s2;
	_ =	strace s9  }
0x27: {  	s1 =	sld [smem:$0x3FAE]  }
0x28: {  	s2 =	sld [smem:$0x3FAF]  }
0x29: {  	s4 =	sld [smem:$0x3FB1]  }
0x2a: {  	p0 =	seq.s32 s5, $0x0;
	s5 =	sld [smem:$0x3FB2]  }
0x2b: {  	s6 =	sld [smem:$0x3FB3]  }
0x2c: {  	s7 =	sld [smem:$0x3FB4]  }
0x2d: {  	s3 =	simm.s32 $0x108;
	s8 =	sld [smem:$0x3FB5]  }
0x2e: {  	s3 =	simm.s32 @!p0 $0x1082;
	s9 =	sld [smem:$0x3FB6]  }
0x2f: {  	lr =	sadd.s32 s0, s3;
	s0 =	sld [smem:$0x3FAD]  }
0x30: {  	s3 =	sld [smem:$0x3FB0]  }
0x31: {  	[smem:$0x3FB9] =	sst s10  }
0x32: {  	s10 =	sld [smem:$0x3FB7];
	_ =	sdelay $0x3  }
0x33: {  	p0 =	seq.s32 s10, $0x1;
	s10 =	sld [smem:$0x3FB9];
	_ =	sdelay $0x3  }
0x34: {  	[smem:$0x3FB9] =	sst s10  }
0x35: {  	s10 =	sld [smem:$0x3FB8];
	_ =	sdelay $0x3  }
0x36: {  	p1 =	seq.s32 s10, $0x1;
	s10 =	sld [smem:$0x3FB9];
	_ =	sdelay $0x3  }
0x37: {  	[smem:$0x3FB9] =	sst s10  }
0x38: {  	s10 =	sld [smem:$0x3FBA]  }
0x39: {  	_ = 	snop;
	(pc) =	sbr.ind lr, $3  }
0x3a: {  	_ = 	snop  }
0x3b: {  	_ = 	snop  }
0x3c: {  	p2 =	seq.s32 s10, $0x1;
	s10 =	sld [smem:$0x3FB9]  }
0x3d: {  	_ =	shalt  }
0x3e: {  	_ =	shalt  }
0x3f: {  	_ =	shalt  }
0x40: {  	_ =	shalt  }
0x41: {  	_ =	shalt  }
0x42: {  	_ =	shalt  }
0x43: {  	_ =	shalt  }
0x44: {  	_ =	shalt  }
0x45: {  	_ =	shalt  }
0x46: {  	_ =	shalt  }
0x47: {  	_ =	shalt  }
0x48: {  	_ =	shalt  }
0x49: {  	_ =	shalt  }
0x4a: {  	_ =	shalt  }
0x4b: {  	_ =	shalt  }
0x4c: {  	_ =	shalt  }
0x4d: {  	_ =	shalt  }
0x4e: {  	_ =	shalt  }
0x4f: {  	_ =	shalt  }
0x50: {  	_ =	shalt  }
0x51: {  	_ =	shalt  }
0x52: {  	_ =	shalt  }
0x53: {  	_ =	shalt  }
0x54: {  	_ =	shalt  }
0x55: {  	_ =	shalt  }
0x56: {  	_ =	shalt  }
0x57: {  	_ =	shalt  }
0x58: {  	_ =	shalt  }
0x59: {  	_ =	shalt  }
0x5a: {  	_ =	shalt  }
0x5b: {  	_ =	shalt  }
0x5c: {  	_ =	shalt  }
0x5d: {  	_ =	shalt  }
0x5e: {  	_ =	shalt  }
0x5f: {  	_ =	shalt  }
0x60: {  	_ =	shalt  }
0x61: {  	_ =	shalt  }
0x62: {  	_ =	shalt  }
0x63: {  	_ =	shalt  }
0x64: {  	_ =	shalt  }
0x65: {  	_ =	shalt  }
0x66: {  	_ =	shalt  }
0x67: {  	_ =	shalt  }
0x68: {  	_ =	shalt  }
0x69: {  	_ =	shalt  }
0x6a: {  	_ =	shalt  }
0x6b: {  	_ =	shalt  }
0x6c: {  	_ =	shalt  }
0x6d: {  	_ =	shalt  }
0x6e: {  	_ =	shalt  }
0x6f: {  	_ =	shalt  }
0x70: {  	_ =	shalt  }
0x71: {  	_ =	shalt  }
0x72: {  	_ =	shalt  }
0x73: {  	_ =	shalt  }
0x74: {  	_ =	shalt  }
0x75: {  	_ =	shalt  }
0x76: {  	_ =	shalt  }
0x77: {  	_ =	shalt  }
0x78: {  	_ =	shalt  }
0x79: {  	_ =	shalt  }
0x7a: {  	_ =	shalt  }
0x7b: {  	_ =	shalt  }
0x7c: {  	_ =	shalt  }
0x7d: {  	_ =	shalt  }
0x7e: {  	_ =	shalt  }
0x7f: {  	_ =	shalt  }
0x80: {  	_ =	shalt  }
0x81: {  	_ =	shalt  }
0x82: {  	_ =	shalt  }
0x83: {  	_ =	shalt  }
0x84: {  	_ =	shalt  }
0x85: {  	_ =	shalt  }
0x86: {  	_ =	shalt  }
0x87: {  	_ =	shalt  }
.Lfunc_end0:
.L_simem_size_0:
called_computation_lowered:
.L_overlay_start_0:
0x88: {  	s2 =	sld [smem:$0x3FD9]  }
0x89: {  	s3 =	sld [smem:$0x3FFE];
	_ =	sdelay $0x1  }
0x8a: {  	s1 =	srdreg.scid  }
0x8b: {  	s0 =	sand.u32 $0x1, s1  }
0x8c: {  	s16 =	sshll.u32 s0, $0xA;
	s2 =	sadd.s32 s3, s2  }
0x8d: {  	s2 =	sadd.s32 s2, s16  }
0x8e: {  	[smem:$0x3FC5] =	sst s2  }
0x8f: {  	_ = 	snop  }
0x90: {  	(tm) =	ssettm $0x1  }
0x91: {  	s17 =	sld [smem:$0x3FFB];
	_ =	sdelay $0x3  }
0x92: {  	_ =	strace s17  }
0x93: {  	s2 =	sld [smem:$0x3FFC];
	_ =	sdelay $0x3  }
0x94: {  	_ =	strace s2  }
0x95: {  	s2 =	sld [smem:$0x3FFD];
	_ =	sdelay $0x3  }
0x96: {  	_ =	strace s2  }
0x97: {  	_ =	strace $0x8FFFFFFF  }
0x98: {  	s18 =	sld [smem:$0x3FDB];
	_ =	sdelay $0x1  }
0x99: {  	s19 =	simm.s32 $_scs_section_size  }
0x9a: {  	s4 =	simm.s32 $_size__tile_overlayer_lowered;
	s5 =	simm.s32 $_tile_overlayer_lowered  }
0x9b: {  	s22 =	simm.s32 $0x1BFF;
	s21 =	sshll.u32 s5, $0x1;
	s2 =	sadd.s32 s19, s18  }
0x9c: {  	s6 =	simm.s32 $0x0;
	s20 =	sshll.u32 s4, $0x1;
	s4 =	sadd.s32 s21, s2  }
0x9d: {  	[timem:s6], [sflag:s22] =	dma.local [hbm:s4], s20  }
0x9e: {  	_ =	swait.ge [sflag:s22], s20  }
0x9f: {  	s3 =	ssub.s32 $0x0, s20;
	[sflag:s22] =	ssyncset.done $0x0  }
0xa0: {  	[sflag:s22] =	ssyncadd.s32 s3;
	_ =	sdelay $0x1  }
0xa1: {  	s23 =	simm.s32 $0x1B8B  }
0xa2: {  	_ =	swait.ge [sflag:s23], $0x1  }
0xa3: {  	[sflag:s23] =	ssyncset.done $0x0  }
0xa4: {  	s25 =	simm.s32 $0x1B8E;
	s24 =	sld [smem:$0x3FFE];
	[sflag:s23] =	ssyncadd.s32 $0xFFFFFFFF  }
0xa5: {  	s26 =	simm.s32 $execute0_lowered;
	[smem:$0x3FD2] =	sst s25  }
0xa6: {  	s4 =	sshll.u32 s26, $0x1;
	_ =	strace $0x80000046;
	[dreg:$0x1] =	wrdreg $0xFFFFFFFF  }
0xa7: {  	s28 =	simm.s32 $_size_execute0_lowered;
	s2 =	sadd.s32 s2, s4;
	[dreg:$0x0] =	wrdreg $0x0  }
0xa8: {  	s4 =	sshll.u32 s28, $0x1;
	[dreg:$0x2] =	wrdreg s2  }
0xa9: {  	[dreg:$0x3] =	wrdreg s4  }
0xaa: {  	[dreg:$0x4] =	wrdreg $0xC0  }
0xab: {  	_ =	task [dreg:s6], $0x5FFFF  }
0xac: {  	[dreg:$0x1] =	wrdreg $0xFFFFFFFF  }
0xad: {  	[dreg:$0x0] =	wrdreg $0x60  }
0xae: {  	[dreg:$0x2] =	wrdreg s24  }
0xaf: {  	[dreg:$0x3] =	wrdreg $0x9  }
0xb0: {  	_ =	task.clear_ibuf [dreg:s6], $0x4FFFF;
	_ =	strace $0x90000046  }
0xb1: {  	s29 =	simm.s32 $0x9;
	_ =	strace $0x80000048  }
0xb2: {  	_ =	swait.ge [sflag:s29], $0x1  }
0xb3: {  	[sflag:s29] =	ssyncadd.s32 $0xFFFFFFFF  }
0xb4: {  	_ =	strace $0x90000048  }
0xb5: {  	_ =	sfence  }
0xb6: {  	s30 =	sld [smem:$0x0];
	_ =	sdelay $0x2  }
0xb7: {  	s31 =	sshll.u32 s1, $0xD;
	s1 =	sshrl.u32 s1, $0x2  }
0xb8: {  	s3 =	sand.u32 $0x4000, s31;
	s1 =	sadd.s32 s1, s30  }
0xb9: {  	s0 =	sor.u32 s3, s0;
	s1 =	sshll.u32 s1, $0x11  }
0xba: {  	s0 =	sor.u32 s1, s0  }
0xbb: {  	s0 =	sadd.s32 $0x8F2B, s0  }
0xbc: {  	[sflag:s0] =	ssyncadd.remote.s32 $0x1  }
0xbd: {  	_ =	sfence.sel $0xFFFF  }
0xbe: {  	[dreg:$0x0] =	wrdreg $0xFFFFFFFF;
	(pc) =	sbr.abs _section_cstart, $3  }
0xbf: {  	[dreg:$0x1] =	wrdreg $0xFFFFFFFF  }
0xc0: {  	_ =	task.clear_ibuf [dreg:s6], $0x2FFFF;
	_ =	strace $0x9FFFFFFF  }
0xc1: {  	(tm) =	ssettm $0x7FFFFFFF  }
tec
execute0_lowered:
.L_overlay_start_1:
0x0: {  	(tag) =	ssettag $0x1  }
0x1: {  	s1 =	srdreg.scid;
	s0 =	stileid.u32  }
0x2: {  	s6 =	sand.u32 $0x1, s1;
	s31 =	sshll.u32 s0, $0x1  }
0x3: {  	s1 =	sor.u32 s6, s31  }
0x4: {  	s5 =	rddreg [dreg:$0x0];
	s2 =	simm.s32 $0x0;
	s3 =	smul.u32 $0x320, s1  }
0x5: {  	[smem:$0x7FF] =	sst s2  }
0x6: {  	s9 =	ssub.s32 $0x2, s6;
	s1 =	rddreg [dreg:$0x1];
	s8 =	sadd.s32 s3, s5  }
0x7: {  	_ =	strace $0x80000047;
	s3 =	simm.s32 $0x2;
	s4 =	sadd.s32 $0xE00, s8  }
0x8: {  	[tilespmem:s2], [sflag:$0x2] =	stream.linear.gather [hbm4b:s4+s2], $0x1900, $0x38;
	[tilespmem:$0x3200] =	vst v63  }
0x9: {  	s7 =	simm.s32 $0x1;
	s10 =	sshrl.u32 s9, $0x1;
	_ =	swait.ge [sflag:s3], $0x1900  }
0xa: {  	s6 =	simm.s32 $0x1900;
	s9 =	ssub.s32 s9, s10;
	[sflag:s3] =	ssyncset.done $0x0  }
0xb: {  	s5 =	sadd.s32 $0x7200, s5;
	s9 =	smax.u32 s9, $0x1;
	[sflag:s3] =	ssyncadd.s32 $0xFFFFE700  }
0xc: {  	[tilespmem:s6], [sflag:$0x1] =	stream.indirect.gather [hbm4b:s5+s6], $0x1, s2, s6, $0xb8;
	[tilespmem:$0x3200] =	vst v63  }
0xd: {  	p0 =	sne.s32 s9, $0x1;
	_ =	swait.ge [sflag:s7], $0x1900  }
.Ltmp0:
0xe: {  	[sflag:s7] =	ssyncset.done $0x0;
	(pc) =	sbr.rel @!p0 .LBB2_2-.Ltmp0, $4  }
0xf: {  	s8 =	sadd.s32 $0xD600, s8;
	[sflag:s7] =	ssyncadd.s32 $0xFFFFE700  }
0x10: {  	[hbm4b:s8+s2] =	stream.linear.scatter [tilespmem:s6], [sflag:$0x2], $0x1900, $0x38;
	[tilespmem:$0x3200] =	vst v63  }
0x11: {  	_ =	swait.ge [sflag:s3], $0x1900  }
0x12: {  	s9 =	sadd.s32 $0xFFFFFFFF, s9;
	[sflag:s3] =	ssyncset.done $0x0  }
.LBB2_1:
0x13: {  	p0 =	sne.s32 s9, $0x1;
	s9 =	sadd.s32 $0xFFFFFFFF, s9;
	[sflag:s3] =	ssyncadd.s32 $0xFFFFE700  }
0x14: {  	[tilespmem:s2], [sflag:$0x2] =	stream.linear.gather [hbm4b:s4+s2], $0x1900, $0x38;
	[tilespmem:$0x3200] =	vst v63  }
0x15: {  	_ =	swait.ge [sflag:s3], $0x1900  }
0x16: {  	[sflag:s3] =	ssyncset.done $0x0  }
0x17: {  	[sflag:s3] =	ssyncadd.s32 $0xFFFFE700  }
0x18: {  	[tilespmem:s6], [sflag:$0x1] =	stream.indirect.gather [hbm4b:s5+s6], $0x1, s2, s6, $0xb8;
	[tilespmem:$0x3200] =	vst v63  }
0x19: {  	_ =	swait.ge [sflag:s7], $0x1900  }
.Ltmp1:
0x1a: {  	[sflag:s7] =	ssyncset.done $0x0;
	(pc) =	sbr.rel @p0 .LBB2_1-.Ltmp1, $4  }
0x1b: {  	[sflag:s7] =	ssyncadd.s32 $0xFFFFE700  }
0x1c: {  	[hbm4b:s8+s2] =	stream.linear.scatter [tilespmem:s6], [sflag:$0x2], $0x1900, $0x38;
	[tilespmem:$0x3200] =	vst v63  }
0x1d: {  	_ =	swait.ge [sflag:s3], $0x1900  }
0x1e: {  	[sflag:s3] =	ssyncset.done $0x0  }
.LBB2_2:
0x1f: {  	[sflag:s3] =	ssyncadd.s32 $0xFFFFE700  }
0x20: {  	_ =	sfence.sel $0x180000  }
0x21: {  	[bflag:$0x0] =	sbarrier.arrive $0xFFFF  }
0x22: {  	p0 =	sne.s32 s0, $0x0;
	_ =	strace $0x90000047  }
0x23: {  	s0 =	sadd.s32 @!p0 $0x100000, s1;
	[bflag:$0x2] =	sbarrier.arrive $0xFFFF  }
0x24: {  	[sflag:s0] =	ssyncadd.tile.s32 @!p0 $0x1;
	_ =	shalt  }
.Lfunc_end2:
_tile_overlayer_lowered:
.L_overlay_start_2:
0x25: {  	(tag) =	ssettag $0x2  }
0x26: {  	s0 =	rddreg [dreg:$0x0];
	s2 =	stileid.u32  }
0x27: {  	s1 =	rddreg [dreg:$0x1];
	p0 =	sne.s32 s2, $0x0  }
0x28: {  	s3 =	rddreg [dreg:$0x2];
	[bflag:$0x3] =	sbarrier.arrive $0xFFFF;
	s2 =	simm.s32 @!p0 $0x1C02  }
0x29: {  	[timem:s3], [sflag:s2] =	dma.local @!p0 [hbm:s0], s1  }
0x2a: {  	s0 =	simm.s32 @!p0 $0x2  }
0x2b: {  	_ =	swait.ge @!p0 [sflag:s0], s1  }
0x2c: {  	s1 =	ssub.s32 @!p0 $0x0, s1;
	[sflag:s0] =	ssyncset.done @!p0 $0x0  }
0x2d: {  	[sflag:s0] =	ssyncadd.s32 @!p0 s1  }
0x2e: {  	[bflag:$0x3] =	sbarrier.arrive $0xFFFF  }
0x2f: {  	_ =	shalt  }

</sc_bundles>
